<compile_context>
chip_gen: v7x
topology: tpu7x:2x2x1
jax: 0.10.2.dev20260603
libtpu: 0.0.44.dev20260713+nightly
codegen_flags: <defaults>
</compile_context>

<pallas_src>
import functools

import jax
import jax.numpy as jnp
from jax import lax
from jax.experimental import pallas as pl
from jax.experimental.pallas import tpu as pltpu
from jax.experimental.pallas import tpu_sc as plsc

ROWS = 200
COLS = 16384
NUM_CORES = 2
NUM_SUBCORES = 16
NW = NUM_CORES * NUM_SUBCORES
NBANDS = ROWS // 8
BLK_COLS = 2048
NBLK = COLS // BLK_COLS
LANES = 16

_mesh = plsc.VectorSubcoreMesh(core_axis_name="c", subcore_axis_name="s")


@functools.partial(
    pl.kernel,
    mesh=_mesh,
    out_type=jax.ShapeDtypeStruct((ROWS, COLS), jnp.float32),
    compiler_params=pltpu.CompilerParams(
        needs_layout_passes=False,
        disable_bounds_checks=True,
        disable_semaphore_checks=True,
        skip_device_barrier=True,
    ),
    scratch_types=(
        [pltpu.VMEM((8, BLK_COLS), jnp.int32)] * 2
        + [pltpu.VMEM((8, BLK_COLS), jnp.float32)] * 2
        + [pltpu.SemaphoreType.DMA] * 4
    ),
)
def _sc_lookup(ids_hbm, hop_hbm, cut_hbm, out_hbm,
               ids_b0, ids_b1, out_b0, out_b1,
               in_s0, in_s1, out_s0, out_s1):
    wid = lax.axis_index("s") * NUM_CORES + lax.axis_index("c")
    ids_bufs = (ids_b0, ids_b1)
    out_bufs = (out_b0, out_b1)
    in_sems = (in_s0, in_s1)
    out_sems = (out_s0, out_s1)
    r0 = wid * 8

    def start_in(b):
        c0 = b * BLK_COLS
        return pltpu.async_copy(
            ids_hbm.at[pl.ds(r0, 8), pl.ds(c0, BLK_COLS)],
            ids_bufs[b % 2], in_sems[b % 2])

    def start_out(b):
        c0 = b * BLK_COLS
        return pltpu.async_copy(
            out_bufs[b % 2],
            out_hbm.at[pl.ds(r0, 8), pl.ds(c0, BLK_COLS)],
            out_sems[b % 2])

    @pl.when(wid < NBANDS)
    def _():
        in_dmas = {0: start_in(0)}
        out_dmas = {}
        for b in range(NBLK):
            if b + 1 < NBLK:
                in_dmas[b + 1] = start_in(b + 1)
            in_dmas[b].wait()
            if b >= 2:
                out_dmas[b - 2].wait()
            out_dmas[b] = start_out(b)
        out_dmas[NBLK - 2].wait()
        out_dmas[NBLK - 1].wait()


def kernel(ids_mat, hop_table, cut_off_table):
    return _sc_lookup(ids_mat.T, hop_table, cut_off_table).T

# --- scband reference (transcript-rebuilt; emitter-appended) ---
"""Pipeline reference for scband-hop-table-72370198937928 (READ-ONLY COPY).

The authoritative reference and input builder live on the scoring server;
editing this copy changes nothing except your own understanding.
"""

import jax, jax.numpy as jnp
import numpy as np

HOP_TABLE_NUM = 64
CUT_OFF_THRESHOLD = -1000000.0


def setup_inputs(seed: int = 0) -> dict:
    key = jax.random.key(seed)
    k1, k2 = jax.random.split(key)
    hop_table = jax.random.normal(k1, (HOP_TABLE_NUM,), dtype=jnp.float32)
    cut_off_table = jnp.zeros((HOP_TABLE_NUM,), dtype=jnp.float32).at[0].set(CUT_OFF_THRESHOLD)
    ids_mat = jax.random.randint(k2, (16384, 200), 0, HOP_TABLE_NUM, dtype=jnp.int64 if jax.config.jax_enable_x64 else jnp.int32)
    return {"ids_mat": ids_mat, "hop_table": hop_table, "cut_off_table": cut_off_table}


def reference(ids_mat, hop_table, cut_off_table):
    # table = self.hop_table + self.cut_off_table; return table[ids_mat]
    table = hop_table + cut_off_table
    return jnp.take(table, ids_mat, axis=0)

if __name__ == "__main__":
    import jax
    _d = setup_inputs()
    print(jax.jit(kernel)(*tuple(_d.values())))

</pallas_src>

<mosaic_0001>
#map = affine_map<(d0, d1) -> (0, 0)>
#map1 = affine_map<(d0, d1) -> (0)>
module attributes {stable_mosaic.version = 14 : i64} {
  func.func @_sc_lookup(%arg0: i32, %arg1: i32, %arg2: memref<200x16384xi32, #tpu.memory_space<hbm>>, %arg3: memref<64xf32, #tpu.memory_space<hbm>>, %arg4: memref<64xf32, #tpu.memory_space<hbm>>, %arg5: memref<200x16384xf32, #tpu.memory_space<hbm>>, %arg6: memref<8x2048xi32, #tpu.memory_space<vmem>>, %arg7: memref<8x2048xi32, #tpu.memory_space<vmem>>, %arg8: memref<8x2048xf32, #tpu.memory_space<vmem>>, %arg9: memref<8x2048xf32, #tpu.memory_space<vmem>>, %arg10: memref<!tpu.dma_semaphore, #tpu.memory_space<semaphore_mem>>, %arg11: memref<!tpu.dma_semaphore, #tpu.memory_space<semaphore_mem>>, %arg12: memref<!tpu.dma_semaphore, #tpu.memory_space<semaphore_mem>>, %arg13: memref<!tpu.dma_semaphore, #tpu.memory_space<semaphore_mem>>) attributes {dimension_semantics = [#tpu.dimension_semantics<core_parallel>, #tpu.dimension_semantics<subcore_parallel>], iteration_bounds = array<i64: 2, 16>, scalar_prefetch = 0 : i64, scratch_operands = 8 : i64, tpu.core_type = #tpu.core_type<sc_vector_subcore>, window_params = [{transform_indices = #map}, {transform_indices = #map1}, {transform_indices = #map1}, {transform_indices = #map}]} {
    %mul3A = arith.constant 2 : i32
    %mul3A_0 = arith.muli %arg1, %mul3A : i32
    %add3A = arith.addi %mul3A_0, %arg0 : i32
    %mul3A_1 = arith.constant 8 : i32
    %mul3A_2 = arith.muli %add3A, %mul3A_1 : i32
    %lt3A = arith.constant 25 : i32
    %lt3A_3 = arith.cmpi slt, %add3A, %lt3A : i32
    %convert_element_type3A = arith.extui %lt3A_3 : i1 to i32
    %cond3A = arith.constant 0 : i32
    %cond3A_4 = arith.cmpi ne, %convert_element_type3A, %cond3A : i32
    scf.if %cond3A_4 {
      %dma_start3A = arith.constant 0 : i32
      %dma_start3A_5 = tpu.memref_slice %arg2[%mul3A_2, %dma_start3A] : memref<200x16384xi32, #tpu.memory_space<hbm>> -> memref<8x2048xi32, #tpu.memory_space<hbm>>
      %dma_start3A_6 = arith.constant 0 : i32
      %dma_start3A_7 = tpu.memref_slice %arg2[%mul3A_2, %dma_start3A_6] : memref<200x16384xi32, #tpu.memory_space<hbm>> -> memref<8x2048xi32, #tpu.memory_space<hbm>>
      tpu.enqueue_dma source(%dma_start3A_7 : memref<8x2048xi32, #tpu.memory_space<hbm>>) target(%arg6 : memref<8x2048xi32, #tpu.memory_space<vmem>>) target_semaphore(%arg10 : memref<!tpu.dma_semaphore, #tpu.memory_space<semaphore_mem>>)
      %dma_start3A_8 = arith.constant 2048 : i32
      %dma_start3A_9 = tpu.memref_slice %arg2[%mul3A_2, %dma_start3A_8] : memref<200x16384xi32, #tpu.memory_space<hbm>> -> memref<8x2048xi32, #tpu.memory_space<hbm>>
      %dma_start3A_10 = arith.constant 2048 : i32
      %dma_start3A_11 = tpu.memref_slice %arg2[%mul3A_2, %dma_start3A_10] : memref<200x16384xi32, #tpu.memory_space<hbm>> -> memref<8x2048xi32, #tpu.memory_space<hbm>>
      tpu.enqueue_dma source(%dma_start3A_11 : memref<8x2048xi32, #tpu.memory_space<hbm>>) target(%arg7 : memref<8x2048xi32, #tpu.memory_space<vmem>>) target_semaphore(%arg11 : memref<!tpu.dma_semaphore, #tpu.memory_space<semaphore_mem>>)
      %dma_wait3A = arith.constant 0 : i32
      %dma_wait3A_12 = tpu.memref_slice %arg2[%mul3A_2, %dma_wait3A] : memref<200x16384xi32, #tpu.memory_space<hbm>> -> memref<8x2048xi32, #tpu.memory_space<hbm>>
      %dma_wait3A_13 = arith.constant 0 : i32
      %dma_wait3A_14 = tpu.memref_slice %arg2[%mul3A_2, %dma_wait3A_13] : memref<200x16384xi32, #tpu.memory_space<hbm>> -> memref<8x2048xi32, #tpu.memory_space<hbm>>
      tpu.wait_dma2 semaphore(%arg10 : memref<!tpu.dma_semaphore, #tpu.memory_space<semaphore_mem>>) src(%dma_wait3A_14 : memref<8x2048xi32, #tpu.memory_space<hbm>>) dst(%arg6 : memref<8x2048xi32, #tpu.memory_space<vmem>>)
      %dma_start3A_15 = arith.constant 0 : i32
      %dma_start3A_16 = tpu.memref_slice %arg5[%mul3A_2, %dma_start3A_15] : memref<200x16384xf32, #tpu.memory_space<hbm>> -> memref<8x2048xf32, #tpu.memory_space<hbm>>
      %dma_start3A_17 = arith.constant 0 : i32
      %dma_start3A_18 = tpu.memref_slice %arg5[%mul3A_2, %dma_start3A_17] : memref<200x16384xf32, #tpu.memory_space<hbm>> -> memref<8x2048xf32, #tpu.memory_space<hbm>>
      tpu.enqueue_dma source(%arg8 : memref<8x2048xf32, #tpu.memory_space<vmem>>) target(%dma_start3A_18 : memref<8x2048xf32, #tpu.memory_space<hbm>>) target_semaphore(%arg12 : memref<!tpu.dma_semaphore, #tpu.memory_space<semaphore_mem>>)
      %dma_start3A_19 = arith.constant 4096 : i32
      %dma_start3A_20 = tpu.memref_slice %arg2[%mul3A_2, %dma_start3A_19] : memref<200x16384xi32, #tpu.memory_space<hbm>> -> memref<8x2048xi32, #tpu.memory_space<hbm>>
      %dma_start3A_21 = arith.constant 4096 : i32
      %dma_start3A_22 = tpu.memref_slice %arg2[%mul3A_2, %dma_start3A_21] : memref<200x16384xi32, #tpu.memory_space<hbm>> -> memref<8x2048xi32, #tpu.memory_space<hbm>>
      tpu.enqueue_dma source(%dma_start3A_22 : memref<8x2048xi32, #tpu.memory_space<hbm>>) target(%arg6 : memref<8x2048xi32, #tpu.memory_space<vmem>>) target_semaphore(%arg10 : memref<!tpu.dma_semaphore, #tpu.memory_space<semaphore_mem>>)
      %dma_wait3A_23 = arith.constant 2048 : i32
      %dma_wait3A_24 = tpu.memref_slice %arg2[%mul3A_2, %dma_wait3A_23] : memref<200x16384xi32, #tpu.memory_space<hbm>> -> memref<8x2048xi32, #tpu.memory_space<hbm>>
      %dma_wait3A_25 = arith.constant 2048 : i32
      %dma_wait3A_26 = tpu.memref_slice %arg2[%mul3A_2, %dma_wait3A_25] : memref<200x16384xi32, #tpu.memory_space<hbm>> -> memref<8x2048xi32, #tpu.memory_space<hbm>>
      tpu.wait_dma2 semaphore(%arg11 : memref<!tpu.dma_semaphore, #tpu.memory_space<semaphore_mem>>) src(%dma_wait3A_26 : memref<8x2048xi32, #tpu.memory_space<hbm>>) dst(%arg7 : memref<8x2048xi32, #tpu.memory_space<vmem>>)
      %dma_start3A_27 = arith.constant 2048 : i32
      %dma_start3A_28 = tpu.memref_slice %arg5[%mul3A_2, %dma_start3A_27] : memref<200x16384xf32, #tpu.memory_space<hbm>> -> memref<8x2048xf32, #tpu.memory_space<hbm>>
      %dma_start3A_29 = arith.constant 2048 : i32
      %dma_start3A_30 = tpu.memref_slice %arg5[%mul3A_2, %dma_start3A_29] : memref<200x16384xf32, #tpu.memory_space<hbm>> -> memref<8x2048xf32, #tpu.memory_space<hbm>>
      tpu.enqueue_dma source(%arg9 : memref<8x2048xf32, #tpu.memory_space<vmem>>) target(%dma_start3A_30 : memref<8x2048xf32, #tpu.memory_space<hbm>>) target_semaphore(%arg13 : memref<!tpu.dma_semaphore, #tpu.memory_space<semaphore_mem>>)
      %dma_start3A_31 = arith.constant 6144 : i32
      %dma_start3A_32 = tpu.memref_slice %arg2[%mul3A_2, %dma_start3A_31] : memref<200x16384xi32, #tpu.memory_space<hbm>> -> memref<8x2048xi32, #tpu.memory_space<hbm>>
      %dma_start3A_33 = arith.constant 6144 : i32
      %dma_start3A_34 = tpu.memref_slice %arg2[%mul3A_2, %dma_start3A_33] : memref<200x16384xi32, #tpu.memory_space<hbm>> -> memref<8x2048xi32, #tpu.memory_space<hbm>>
      tpu.enqueue_dma source(%dma_start3A_34 : memref<8x2048xi32, #tpu.memory_space<hbm>>) target(%arg7 : memref<8x2048xi32, #tpu.memory_space<vmem>>) target_semaphore(%arg11 : memref<!tpu.dma_semaphore, #tpu.memory_space<semaphore_mem>>)
      %dma_wait3A_35 = arith.constant 4096 : i32
      %dma_wait3A_36 = tpu.memref_slice %arg2[%mul3A_2, %dma_wait3A_35] : memref<200x16384xi32, #tpu.memory_space<hbm>> -> memref<8x2048xi32, #tpu.memory_space<hbm>>
      %dma_wait3A_37 = arith.constant 4096 : i32
      %dma_wait3A_38 = tpu.memref_slice %arg2[%mul3A_2, %dma_wait3A_37] : memref<200x16384xi32, #tpu.memory_space<hbm>> -> memref<8x2048xi32, #tpu.memory_space<hbm>>
      tpu.wait_dma2 semaphore(%arg10 : memref<!tpu.dma_semaphore, #tpu.memory_space<semaphore_mem>>) src(%dma_wait3A_38 : memref<8x2048xi32, #tpu.memory_space<hbm>>) dst(%arg6 : memref<8x2048xi32, #tpu.memory_space<vmem>>)
      %dma_wait3A_39 = arith.constant 0 : i32
      %dma_wait3A_40 = tpu.memref_slice %arg5[%mul3A_2, %dma_wait3A_39] : memref<200x16384xf32, #tpu.memory_space<hbm>> -> memref<8x2048xf32, #tpu.memory_space<hbm>>
      %dma_wait3A_41 = arith.constant 0 : i32
      %dma_wait3A_42 = tpu.memref_slice %arg5[%mul3A_2, %dma_wait3A_41] : memref<200x16384xf32, #tpu.memory_space<hbm>> -> memref<8x2048xf32, #tpu.memory_space<hbm>>
      tpu.wait_dma2 semaphore(%arg12 : memref<!tpu.dma_semaphore, #tpu.memory_space<semaphore_mem>>) src(%arg8 : memref<8x2048xf32, #tpu.memory_space<vmem>>) dst(%dma_wait3A_42 : memref<8x2048xf32, #tpu.memory_space<hbm>>)
      %dma_start3A_43 = arith.constant 4096 : i32
      %dma_start3A_44 = tpu.memref_slice %arg5[%mul3A_2, %dma_start3A_43] : memref<200x16384xf32, #tpu.memory_space<hbm>> -> memref<8x2048xf32, #tpu.memory_space<hbm>>
      %dma_start3A_45 = arith.constant 4096 : i32
      %dma_start3A_46 = tpu.memref_slice %arg5[%mul3A_2, %dma_start3A_45] : memref<200x16384xf32, #tpu.memory_space<hbm>> -> memref<8x2048xf32, #tpu.memory_space<hbm>>
      tpu.enqueue_dma source(%arg8 : memref<8x2048xf32, #tpu.memory_space<vmem>>) target(%dma_start3A_46 : memref<8x2048xf32, #tpu.memory_space<hbm>>) target_semaphore(%arg12 : memref<!tpu.dma_semaphore, #tpu.memory_space<semaphore_mem>>)
      %dma_start3A_47 = arith.constant 8192 : i32
      %dma_start3A_48 = tpu.memref_slice %arg2[%mul3A_2, %dma_start3A_47] : memref<200x16384xi32, #tpu.memory_space<hbm>> -> memref<8x2048xi32, #tpu.memory_space<hbm>>
      %dma_start3A_49 = arith.constant 8192 : i32
      %dma_start3A_50 = tpu.memref_slice %arg2[%mul3A_2, %dma_start3A_49] : memref<200x16384xi32, #tpu.memory_space<hbm>> -> memref<8x2048xi32, #tpu.memory_space<hbm>>
      tpu.enqueue_dma source(%dma_start3A_50 : memref<8x2048xi32, #tpu.memory_space<hbm>>) target(%arg6 : memref<8x2048xi32, #tpu.memory_space<vmem>>) target_semaphore(%arg10 : memref<!tpu.dma_semaphore, #tpu.memory_space<semaphore_mem>>)
      %dma_wait3A_51 = arith.constant 6144 : i32
      %dma_wait3A_52 = tpu.memref_slice %arg2[%mul3A_2, %dma_wait3A_51] : memref<200x16384xi32, #tpu.memory_space<hbm>> -> memref<8x2048xi32, #tpu.memory_space<hbm>>
      %dma_wait3A_53 = arith.constant 6144 : i32
      %dma_wait3A_54 = tpu.memref_slice %arg2[%mul3A_2, %dma_wait3A_53] : memref<200x16384xi32, #tpu.memory_space<hbm>> -> memref<8x2048xi32, #tpu.memory_space<hbm>>
      tpu.wait_dma2 semaphore(%arg11 : memref<!tpu.dma_semaphore, #tpu.memory_space<semaphore_mem>>) src(%dma_wait3A_54 : memref<8x2048xi32, #tpu.memory_space<hbm>>) dst(%arg7 : memref<8x2048xi32, #tpu.memory_space<vmem>>)
      %dma_wait3A_55 = arith.constant 2048 : i32
      %dma_wait3A_56 = tpu.memref_slice %arg5[%mul3A_2, %dma_wait3A_55] : memref<200x16384xf32, #tpu.memory_space<hbm>> -> memref<8x2048xf32, #tpu.memory_space<hbm>>
      %dma_wait3A_57 = arith.constant 2048 : i32
      %dma_wait3A_58 = tpu.memref_slice %arg5[%mul3A_2, %dma_wait3A_57] : memref<200x16384xf32, #tpu.memory_space<hbm>> -> memref<8x2048xf32, #tpu.memory_space<hbm>>
      tpu.wait_dma2 semaphore(%arg13 : memref<!tpu.dma_semaphore, #tpu.memory_space<semaphore_mem>>) src(%arg9 : memref<8x2048xf32, #tpu.memory_space<vmem>>) dst(%dma_wait3A_58 : memref<8x2048xf32, #tpu.memory_space<hbm>>)
      %dma_start3A_59 = arith.constant 6144 : i32
      %dma_start3A_60 = tpu.memref_slice %arg5[%mul3A_2, %dma_start3A_59] : memref<200x16384xf32, #tpu.memory_space<hbm>> -> memref<8x2048xf32, #tpu.memory_space<hbm>>
      %dma_start3A_61 = arith.constant 6144 : i32
      %dma_start3A_62 = tpu.memref_slice %arg5[%mul3A_2, %dma_start3A_61] : memref<200x16384xf32, #tpu.memory_space<hbm>> -> memref<8x2048xf32, #tpu.memory_space<hbm>>
      tpu.enqueue_dma source(%arg9 : memref<8x2048xf32, #tpu.memory_space<vmem>>) target(%dma_start3A_62 : memref<8x2048xf32, #tpu.memory_space<hbm>>) target_semaphore(%arg13 : memref<!tpu.dma_semaphore, #tpu.memory_space<semaphore_mem>>)
      %dma_start3A_63 = arith.constant 10240 : i32
      %dma_start3A_64 = tpu.memref_slice %arg2[%mul3A_2, %dma_start3A_63] : memref<200x16384xi32, #tpu.memory_space<hbm>> -> memref<8x2048xi32, #tpu.memory_space<hbm>>
      %dma_start3A_65 = arith.constant 10240 : i32
      %dma_start3A_66 = tpu.memref_slice %arg2[%mul3A_2, %dma_start3A_65] : memref<200x16384xi32, #tpu.memory_space<hbm>> -> memref<8x2048xi32, #tpu.memory_space<hbm>>
      tpu.enqueue_dma source(%dma_start3A_66 : memref<8x2048xi32, #tpu.memory_space<hbm>>) target(%arg7 : memref<8x2048xi32, #tpu.memory_space<vmem>>) target_semaphore(%arg11 : memref<!tpu.dma_semaphore, #tpu.memory_space<semaphore_mem>>)
      %dma_wait3A_67 = arith.constant 8192 : i32
      %dma_wait3A_68 = tpu.memref_slice %arg2[%mul3A_2, %dma_wait3A_67] : memref<200x16384xi32, #tpu.memory_space<hbm>> -> memref<8x2048xi32, #tpu.memory_space<hbm>>
      %dma_wait3A_69 = arith.constant 8192 : i32
      %dma_wait3A_70 = tpu.memref_slice %arg2[%mul3A_2, %dma_wait3A_69] : memref<200x16384xi32, #tpu.memory_space<hbm>> -> memref<8x2048xi32, #tpu.memory_space<hbm>>
      tpu.wait_dma2 semaphore(%arg10 : memref<!tpu.dma_semaphore, #tpu.memory_space<semaphore_mem>>) src(%dma_wait3A_70 : memref<8x2048xi32, #tpu.memory_space<hbm>>) dst(%arg6 : memref<8x2048xi32, #tpu.memory_space<vmem>>)
      %dma_wait3A_71 = arith.constant 4096 : i32
      %dma_wait3A_72 = tpu.memref_slice %arg5[%mul3A_2, %dma_wait3A_71] : memref<200x16384xf32, #tpu.memory_space<hbm>> -> memref<8x2048xf32, #tpu.memory_space<hbm>>
      %dma_wait3A_73 = arith.constant 4096 : i32
      %dma_wait3A_74 = tpu.memref_slice %arg5[%mul3A_2, %dma_wait3A_73] : memref<200x16384xf32, #tpu.memory_space<hbm>> -> memref<8x2048xf32, #tpu.memory_space<hbm>>
      tpu.wait_dma2 semaphore(%arg12 : memref<!tpu.dma_semaphore, #tpu.memory_space<semaphore_mem>>) src(%arg8 : memref<8x2048xf32, #tpu.memory_space<vmem>>) dst(%dma_wait3A_74 : memref<8x2048xf32, #tpu.memory_space<hbm>>)
      %dma_start3A_75 = arith.constant 8192 : i32
      %dma_start3A_76 = tpu.memref_slice %arg5[%mul3A_2, %dma_start3A_75] : memref<200x16384xf32, #tpu.memory_space<hbm>> -> memref<8x2048xf32, #tpu.memory_space<hbm>>
      %dma_start3A_77 = arith.constant 8192 : i32
      %dma_start3A_78 = tpu.memref_slice %arg5[%mul3A_2, %dma_start3A_77] : memref<200x16384xf32, #tpu.memory_space<hbm>> -> memref<8x2048xf32, #tpu.memory_space<hbm>>
      tpu.enqueue_dma source(%arg8 : memref<8x2048xf32, #tpu.memory_space<vmem>>) target(%dma_start3A_78 : memref<8x2048xf32, #tpu.memory_space<hbm>>) target_semaphore(%arg12 : memref<!tpu.dma_semaphore, #tpu.memory_space<semaphore_mem>>)
      %dma_start3A_79 = arith.constant 12288 : i32
      %dma_start3A_80 = tpu.memref_slice %arg2[%mul3A_2, %dma_start3A_79] : memref<200x16384xi32, #tpu.memory_space<hbm>> -> memref<8x2048xi32, #tpu.memory_space<hbm>>
      %dma_start3A_81 = arith.constant 12288 : i32
      %dma_start3A_82 = tpu.memref_slice %arg2[%mul3A_2, %dma_start3A_81] : memref<200x16384xi32, #tpu.memory_space<hbm>> -> memref<8x2048xi32, #tpu.memory_space<hbm>>
      tpu.enqueue_dma source(%dma_start3A_82 : memref<8x2048xi32, #tpu.memory_space<hbm>>) target(%arg6 : memref<8x2048xi32, #tpu.memory_space<vmem>>) target_semaphore(%arg10 : memref<!tpu.dma_semaphore, #tpu.memory_space<semaphore_mem>>)
      %dma_wait3A_83 = arith.constant 10240 : i32
      %dma_wait3A_84 = tpu.memref_slice %arg2[%mul3A_2, %dma_wait3A_83] : memref<200x16384xi32, #tpu.memory_space<hbm>> -> memref<8x2048xi32, #tpu.memory_space<hbm>>
      %dma_wait3A_85 = arith.constant 10240 : i32
      %dma_wait3A_86 = tpu.memref_slice %arg2[%mul3A_2, %dma_wait3A_85] : memref<200x16384xi32, #tpu.memory_space<hbm>> -> memref<8x2048xi32, #tpu.memory_space<hbm>>
      tpu.wait_dma2 semaphore(%arg11 : memref<!tpu.dma_semaphore, #tpu.memory_space<semaphore_mem>>) src(%dma_wait3A_86 : memref<8x2048xi32, #tpu.memory_space<hbm>>) dst(%arg7 : memref<8x2048xi32, #tpu.memory_space<vmem>>)
      %dma_wait3A_87 = arith.constant 6144 : i32
      %dma_wait3A_88 = tpu.memref_slice %arg5[%mul3A_2, %dma_wait3A_87] : memref<200x16384xf32, #tpu.memory_space<hbm>> -> memref<8x2048xf32, #tpu.memory_space<hbm>>
      %dma_wait3A_89 = arith.constant 6144 : i32
      %dma_wait3A_90 = tpu.memref_slice %arg5[%mul3A_2, %dma_wait3A_89] : memref<200x16384xf32, #tpu.memory_space<hbm>> -> memref<8x2048xf32, #tpu.memory_space<hbm>>
      tpu.wait_dma2 semaphore(%arg13 : memref<!tpu.dma_semaphore, #tpu.memory_space<semaphore_mem>>) src(%arg9 : memref<8x2048xf32, #tpu.memory_space<vmem>>) dst(%dma_wait3A_90 : memref<8x2048xf32, #tpu.memory_space<hbm>>)
      %dma_start3A_91 = arith.constant 10240 : i32
      %dma_start3A_92 = tpu.memref_slice %arg5[%mul3A_2, %dma_start3A_91] : memref<200x16384xf32, #tpu.memory_space<hbm>> -> memref<8x2048xf32, #tpu.memory_space<hbm>>
      %dma_start3A_93 = arith.constant 10240 : i32
      %dma_start3A_94 = tpu.memref_slice %arg5[%mul3A_2, %dma_start3A_93] : memref<200x16384xf32, #tpu.memory_space<hbm>> -> memref<8x2048xf32, #tpu.memory_space<hbm>>
      tpu.enqueue_dma source(%arg9 : memref<8x2048xf32, #tpu.memory_space<vmem>>) target(%dma_start3A_94 : memref<8x2048xf32, #tpu.memory_space<hbm>>) target_semaphore(%arg13 : memref<!tpu.dma_semaphore, #tpu.memory_space<semaphore_mem>>)
      %dma_start3A_95 = arith.constant 14336 : i32
      %dma_start3A_96 = tpu.memref_slice %arg2[%mul3A_2, %dma_start3A_95] : memref<200x16384xi32, #tpu.memory_space<hbm>> -> memref<8x2048xi32, #tpu.memory_space<hbm>>
      %dma_start3A_97 = arith.constant 14336 : i32
      %dma_start3A_98 = tpu.memref_slice %arg2[%mul3A_2, %dma_start3A_97] : memref<200x16384xi32, #tpu.memory_space<hbm>> -> memref<8x2048xi32, #tpu.memory_space<hbm>>
      tpu.enqueue_dma source(%dma_start3A_98 : memref<8x2048xi32, #tpu.memory_space<hbm>>) target(%arg7 : memref<8x2048xi32, #tpu.memory_space<vmem>>) target_semaphore(%arg11 : memref<!tpu.dma_semaphore, #tpu.memory_space<semaphore_mem>>)
      %dma_wait3A_99 = arith.constant 12288 : i32
      %dma_wait3A_100 = tpu.memref_slice %arg2[%mul3A_2, %dma_wait3A_99] : memref<200x16384xi32, #tpu.memory_space<hbm>> -> memref<8x2048xi32, #tpu.memory_space<hbm>>
      %dma_wait3A_101 = arith.constant 12288 : i32
      %dma_wait3A_102 = tpu.memref_slice %arg2[%mul3A_2, %dma_wait3A_101] : memref<200x16384xi32, #tpu.memory_space<hbm>> -> memref<8x2048xi32, #tpu.memory_space<hbm>>
      tpu.wait_dma2 semaphore(%arg10 : memref<!tpu.dma_semaphore, #tpu.memory_space<semaphore_mem>>) src(%dma_wait3A_102 : memref<8x2048xi32, #tpu.memory_space<hbm>>) dst(%arg6 : memref<8x2048xi32, #tpu.memory_space<vmem>>)
      %dma_wait3A_103 = arith.constant 8192 : i32
      %dma_wait3A_104 = tpu.memref_slice %arg5[%mul3A_2, %dma_wait3A_103] : memref<200x16384xf32, #tpu.memory_space<hbm>> -> memref<8x2048xf32, #tpu.memory_space<hbm>>
      %dma_wait3A_105 = arith.constant 8192 : i32
      %dma_wait3A_106 = tpu.memref_slice %arg5[%mul3A_2, %dma_wait3A_105] : memref<200x16384xf32, #tpu.memory_space<hbm>> -> memref<8x2048xf32, #tpu.memory_space<hbm>>
      tpu.wait_dma2 semaphore(%arg12 : memref<!tpu.dma_semaphore, #tpu.memory_space<semaphore_mem>>) src(%arg8 : memref<8x2048xf32, #tpu.memory_space<vmem>>) dst(%dma_wait3A_106 : memref<8x2048xf32, #tpu.memory_space<hbm>>)
      %dma_start3A_107 = arith.constant 12288 : i32
      %dma_start3A_108 = tpu.memref_slice %arg5[%mul3A_2, %dma_start3A_107] : memref<200x16384xf32, #tpu.memory_space<hbm>> -> memref<8x2048xf32, #tpu.memory_space<hbm>>
      %dma_start3A_109 = arith.constant 12288 : i32
      %dma_start3A_110 = tpu.memref_slice %arg5[%mul3A_2, %dma_start3A_109] : memref<200x16384xf32, #tpu.memory_space<hbm>> -> memref<8x2048xf32, #tpu.memory_space<hbm>>
      tpu.enqueue_dma source(%arg8 : memref<8x2048xf32, #tpu.memory_space<vmem>>) target(%dma_start3A_110 : memref<8x2048xf32, #tpu.memory_space<hbm>>) target_semaphore(%arg12 : memref<!tpu.dma_semaphore, #tpu.memory_space<semaphore_mem>>)
      %dma_wait3A_111 = arith.constant 14336 : i32
      %dma_wait3A_112 = tpu.memref_slice %arg2[%mul3A_2, %dma_wait3A_111] : memref<200x16384xi32, #tpu.memory_space<hbm>> -> memref<8x2048xi32, #tpu.memory_space<hbm>>
      %dma_wait3A_113 = arith.constant 14336 : i32
      %dma_wait3A_114 = tpu.memref_slice %arg2[%mul3A_2, %dma_wait3A_113] : memref<200x16384xi32, #tpu.memory_space<hbm>> -> memref<8x2048xi32, #tpu.memory_space<hbm>>
      tpu.wait_dma2 semaphore(%arg11 : memref<!tpu.dma_semaphore, #tpu.memory_space<semaphore_mem>>) src(%dma_wait3A_114 : memref<8x2048xi32, #tpu.memory_space<hbm>>) dst(%arg7 : memref<8x2048xi32, #tpu.memory_space<vmem>>)
      %dma_wait3A_115 = arith.constant 10240 : i32
      %dma_wait3A_116 = tpu.memref_slice %arg5[%mul3A_2, %dma_wait3A_115] : memref<200x16384xf32, #tpu.memory_space<hbm>> -> memref<8x2048xf32, #tpu.memory_space<hbm>>
      %dma_wait3A_117 = arith.constant 10240 : i32
      %dma_wait3A_118 = tpu.memref_slice %arg5[%mul3A_2, %dma_wait3A_117] : memref<200x16384xf32, #tpu.memory_space<hbm>> -> memref<8x2048xf32, #tpu.memory_space<hbm>>
      tpu.wait_dma2 semaphore(%arg13 : memref<!tpu.dma_semaphore, #tpu.memory_space<semaphore_mem>>) src(%arg9 : memref<8x2048xf32, #tpu.memory_space<vmem>>) dst(%dma_wait3A_118 : memref<8x2048xf32, #tpu.memory_space<hbm>>)
      %dma_start3A_119 = arith.constant 14336 : i32
      %dma_start3A_120 = tpu.memref_slice %arg5[%mul3A_2, %dma_start3A_119] : memref<200x16384xf32, #tpu.memory_space<hbm>> -> memref<8x2048xf32, #tpu.memory_space<hbm>>
      %dma_start3A_121 = arith.constant 14336 : i32
      %dma_start3A_122 = tpu.memref_slice %arg5[%mul3A_2, %dma_start3A_121] : memref<200x16384xf32, #tpu.memory_space<hbm>> -> memref<8x2048xf32, #tpu.memory_space<hbm>>
      tpu.enqueue_dma source(%arg9 : memref<8x2048xf32, #tpu.memory_space<vmem>>) target(%dma_start3A_122 : memref<8x2048xf32, #tpu.memory_space<hbm>>) target_semaphore(%arg13 : memref<!tpu.dma_semaphore, #tpu.memory_space<semaphore_mem>>)
      %dma_wait3A_123 = arith.constant 12288 : i32
      %dma_wait3A_124 = tpu.memref_slice %arg5[%mul3A_2, %dma_wait3A_123] : memref<200x16384xf32, #tpu.memory_space<hbm>> -> memref<8x2048xf32, #tpu.memory_space<hbm>>
      %dma_wait3A_125 = arith.constant 12288 : i32
      %dma_wait3A_126 = tpu.memref_slice %arg5[%mul3A_2, %dma_wait3A_125] : memref<200x16384xf32, #tpu.memory_space<hbm>> -> memref<8x2048xf32, #tpu.memory_space<hbm>>
      tpu.wait_dma2 semaphore(%arg12 : memref<!tpu.dma_semaphore, #tpu.memory_space<semaphore_mem>>) src(%arg8 : memref<8x2048xf32, #tpu.memory_space<vmem>>) dst(%dma_wait3A_126 : memref<8x2048xf32, #tpu.memory_space<hbm>>)
      %dma_wait3A_127 = arith.constant 14336 : i32
      %dma_wait3A_128 = tpu.memref_slice %arg5[%mul3A_2, %dma_wait3A_127] : memref<200x16384xf32, #tpu.memory_space<hbm>> -> memref<8x2048xf32, #tpu.memory_space<hbm>>
      %dma_wait3A_129 = arith.constant 14336 : i32
      %dma_wait3A_130 = tpu.memref_slice %arg5[%mul3A_2, %dma_wait3A_129] : memref<200x16384xf32, #tpu.memory_space<hbm>> -> memref<8x2048xf32, #tpu.memory_space<hbm>>
      tpu.wait_dma2 semaphore(%arg13 : memref<!tpu.dma_semaphore, #tpu.memory_space<semaphore_mem>>) src(%arg9 : memref<8x2048xf32, #tpu.memory_space<vmem>>) dst(%dma_wait3A_130 : memref<8x2048xf32, #tpu.memory_space<hbm>>)
    } else {
    }
    return
  }
}

</mosaic_0001>

<sc_bundles>
// kernel: kernel.3.cloned.1.call-start
scs
__scs_entry_jumppad:
0x0: {  	(pc) =	sbr.rel $0x88, $3  }
0x1: {  	(tag) =	ssettag $0x0;
	lr =	simm.s32 $0x1  }
0x2: {  	[smem:$0x3F9E] =	sst lr;
	_ =	strace $0xD0000000  }
0x3: {  	_ = 	snop  }
0x4: {  	_ = 	snop  }
0x5: {  	_ = 	snop  }
0x6: {  	_ = 	snop  }
0x7: {  	_ = 	snop  }
__scs_overlays_trampoline_lowered:
0x8: {  	[smem:$0x3FAD] =	sst s0  }
0x9: {  	[smem:$0x3FAE] =	sst s1  }
0xa: {  	[smem:$0x3FAF] =	sst s2  }
0xb: {  	[smem:$0x3FB0] =	sst s3  }
0xc: {  	[smem:$0x3FB1] =	sst s4  }
0xd: {  	[smem:$0x3FB2] =	sst s5  }
0xe: {  	[smem:$0x3FB3] =	sst s6  }
0xf: {  	[smem:$0x3FB4] =	sst s7  }
0x10: {  	[smem:$0x3FB5] =	sst s8  }
0x11: {  	[smem:$0x3FB6] =	sst s9;
	s0 =	simm.s32 @!p0 $0x0  }
0x12: {  	s1 =	sld [smem:$0x3F9C];
	s0 =	simm.s32 @p0 $0x1  }
0x13: {  	[smem:$0x3FB7] =	sst s0;
	s0 =	simm.s32 @!p1 $0x0  }
0x14: {  	s2 =	sld [smem:$0x3F9B];
	s0 =	simm.s32 @p1 $0x1  }
0x15: {  	[smem:$0x3FB8] =	sst s0;
	s0 =	simm.s32 @!p2 $0x0  }
0x16: {  	s3 =	sld [smem:$0x3FDB];
	s0 =	simm.s32 @p2 $0x1  }
0x17: {  	s4 =	simm.s32 $0x1BF5;
	[smem:$0x3FBA] =	sst s0  }
0x18: {  	s0 =	sld [smem:$0x3F9D];
	_ =	swait.ge [sflag:s4], $0x0  }
0x19: {  	s7 =	sld [smem:$0x3F9E]  }
0x1a: {  	s8 =	sadd.s32 $0xFFFFE003, lr  }
0x1b: {  	s9 =	sadd.s32 $0xFFFFFEF7, lr;
	s5 =	simm.s32 $0xFFFFFFFF;
	p2 =	slt.u32 s8, $0xFFFFF086  }
0x1c: {  	p1 =	slt.u32 s9, $0xF7A;
	s5 =	simm.s32 @!p2 $0x0  }
0x1d: {  	s5 =	simm.s32 @p1 $0x1;
	p0 =	seq.s32 s7, s2  }
0x1e: {  	s7 =	smul.u32 @!p0 $0xF7A, s2;
	p2 =	seq.s32 @!p0 s5, $0x0  }
0x1f: {  	s9 =	smul.u32 $0xF7A, s1;
	s8 =	simm.s32 @!p0 $0x1BF5;
	p2 =	por !p2, p0  }
0x20: {  	[sflag:s8] =	ssyncset.s32 @!p0 $0xFFFFF086;
	s6 =	sadd.s32 @!p0 s3, s7;
	s7 =	simm.s32 @!p0 $0x108  }
0x21: {  	s3 =	sadd.s32 s3, s9;
	s6 =	sadd.s32 @!p0 $0x88, s6;
	s7 =	simm.s32 @p2 $0x1082  }
0x22: {  	[simem:s7], [sflag:s8] =	dma.local @!p0 [hbm:s6], $0xF7A  }
0x23: {  	s9 =	sor.u32 $0xD0000000, s2;
	s6 =	simm.s32 $0x108;
	_ =	swait.ge @!p0 [sflag:s8], $0x0  }
0x24: {  	s3 =	sadd.s32 $0x88, s3;
	s6 =	simm.s32 @!p1 $0x1082;
	[sflag:s4] =	ssyncset.s32 $0xFFFFF086  }
0x25: {  	[simem:s6], [sflag:s4] =	dma.local [hbm:s3], $0xF7A  }
0x26: {  	[smem:$0x3F9E] =	sst s1;
	(tag) =	ssettag s2;
	_ =	strace s9  }
0x27: {  	s1 =	sld [smem:$0x3FAE]  }
0x28: {  	s2 =	sld [smem:$0x3FAF]  }
0x29: {  	s4 =	sld [smem:$0x3FB1]  }
0x2a: {  	p0 =	seq.s32 s5, $0x0;
	s5 =	sld [smem:$0x3FB2]  }
0x2b: {  	s6 =	sld [smem:$0x3FB3]  }
0x2c: {  	s7 =	sld [smem:$0x3FB4]  }
0x2d: {  	s3 =	simm.s32 $0x108;
	s8 =	sld [smem:$0x3FB5]  }
0x2e: {  	s3 =	simm.s32 @!p0 $0x1082;
	s9 =	sld [smem:$0x3FB6]  }
0x2f: {  	lr =	sadd.s32 s0, s3;
	s0 =	sld [smem:$0x3FAD]  }
0x30: {  	s3 =	sld [smem:$0x3FB0]  }
0x31: {  	[smem:$0x3FB9] =	sst s10  }
0x32: {  	s10 =	sld [smem:$0x3FB7];
	_ =	sdelay $0x3  }
0x33: {  	p0 =	seq.s32 s10, $0x1;
	s10 =	sld [smem:$0x3FB9];
	_ =	sdelay $0x3  }
0x34: {  	[smem:$0x3FB9] =	sst s10  }
0x35: {  	s10 =	sld [smem:$0x3FB8];
	_ =	sdelay $0x3  }
0x36: {  	p1 =	seq.s32 s10, $0x1;
	s10 =	sld [smem:$0x3FB9];
	_ =	sdelay $0x3  }
0x37: {  	[smem:$0x3FB9] =	sst s10  }
0x38: {  	s10 =	sld [smem:$0x3FBA]  }
0x39: {  	_ = 	snop;
	(pc) =	sbr.ind lr, $3  }
0x3a: {  	_ = 	snop  }
0x3b: {  	_ = 	snop  }
0x3c: {  	p2 =	seq.s32 s10, $0x1;
	s10 =	sld [smem:$0x3FB9]  }
0x3d: {  	_ =	shalt  }
0x3e: {  	_ =	shalt  }
0x3f: {  	_ =	shalt  }
0x40: {  	_ =	shalt  }
0x41: {  	_ =	shalt  }
0x42: {  	_ =	shalt  }
0x43: {  	_ =	shalt  }
0x44: {  	_ =	shalt  }
0x45: {  	_ =	shalt  }
0x46: {  	_ =	shalt  }
0x47: {  	_ =	shalt  }
0x48: {  	_ =	shalt  }
0x49: {  	_ =	shalt  }
0x4a: {  	_ =	shalt  }
0x4b: {  	_ =	shalt  }
0x4c: {  	_ =	shalt  }
0x4d: {  	_ =	shalt  }
0x4e: {  	_ =	shalt  }
0x4f: {  	_ =	shalt  }
0x50: {  	_ =	shalt  }
0x51: {  	_ =	shalt  }
0x52: {  	_ =	shalt  }
0x53: {  	_ =	shalt  }
0x54: {  	_ =	shalt  }
0x55: {  	_ =	shalt  }
0x56: {  	_ =	shalt  }
0x57: {  	_ =	shalt  }
0x58: {  	_ =	shalt  }
0x59: {  	_ =	shalt  }
0x5a: {  	_ =	shalt  }
0x5b: {  	_ =	shalt  }
0x5c: {  	_ =	shalt  }
0x5d: {  	_ =	shalt  }
0x5e: {  	_ =	shalt  }
0x5f: {  	_ =	shalt  }
0x60: {  	_ =	shalt  }
0x61: {  	_ =	shalt  }
0x62: {  	_ =	shalt  }
0x63: {  	_ =	shalt  }
0x64: {  	_ =	shalt  }
0x65: {  	_ =	shalt  }
0x66: {  	_ =	shalt  }
0x67: {  	_ =	shalt  }
0x68: {  	_ =	shalt  }
0x69: {  	_ =	shalt  }
0x6a: {  	_ =	shalt  }
0x6b: {  	_ =	shalt  }
0x6c: {  	_ =	shalt  }
0x6d: {  	_ =	shalt  }
0x6e: {  	_ =	shalt  }
0x6f: {  	_ =	shalt  }
0x70: {  	_ =	shalt  }
0x71: {  	_ =	shalt  }
0x72: {  	_ =	shalt  }
0x73: {  	_ =	shalt  }
0x74: {  	_ =	shalt  }
0x75: {  	_ =	shalt  }
0x76: {  	_ =	shalt  }
0x77: {  	_ =	shalt  }
0x78: {  	_ =	shalt  }
0x79: {  	_ =	shalt  }
0x7a: {  	_ =	shalt  }
0x7b: {  	_ =	shalt  }
0x7c: {  	_ =	shalt  }
0x7d: {  	_ =	shalt  }
0x7e: {  	_ =	shalt  }
0x7f: {  	_ =	shalt  }
0x80: {  	_ =	shalt  }
0x81: {  	_ =	shalt  }
0x82: {  	_ =	shalt  }
0x83: {  	_ =	shalt  }
0x84: {  	_ =	shalt  }
0x85: {  	_ =	shalt  }
0x86: {  	_ =	shalt  }
0x87: {  	_ =	shalt  }
.Lfunc_end0:
.L_simem_size_0:
called_computation_lowered:
.L_overlay_start_0:
0x88: {  	s2 =	sld [smem:$0x3FD9]  }
0x89: {  	s3 =	sld [smem:$0x3FFE];
	_ =	sdelay $0x1  }
0x8a: {  	s1 =	srdreg.scid  }
0x8b: {  	s0 =	sand.u32 $0x1, s1  }
0x8c: {  	s18 =	sshll.u32 s0, $0xA;
	s2 =	sadd.s32 s3, s2  }
0x8d: {  	s2 =	sadd.s32 s2, s18  }
0x8e: {  	[smem:$0x3FC5] =	sst s2  }
0x8f: {  	_ = 	snop  }
0x90: {  	s2 =	sld [smem:$0x3FC9]  }
0x91: {  	s19 =	sld [smem:$0x3FD0];
	(tm) =	ssettm $0x1  }
0x92: {  	s4 =	sld [smem:$0x3FFB];
	_ =	sdelay $0x3  }
0x93: {  	_ =	strace s4  }
0x94: {  	s4 =	sld [smem:$0x3FFC];
	_ =	sdelay $0x3  }
0x95: {  	_ =	strace s4  }
0x96: {  	s4 =	sld [smem:$0x3FFD];
	_ =	sdelay $0x3  }
0x97: {  	_ =	strace s4  }
0x98: {  	_ =	strace $0x8FFFFFFF  }
0x99: {  	s20 =	sld [smem:$0x3FDB];
	_ =	sdelay $0x1  }
0x9a: {  	s5 =	simm.s32 $_scs_section_size  }
0x9b: {  	s6 =	simm.s32 $_size__tile_overlayer_lowered;
	s7 =	simm.s32 $_tile_overlayer_lowered  }
0x9c: {  	s23 =	simm.s32 $0x1BFF;
	s22 =	sshll.u32 s7, $0x1;
	s4 =	sadd.s32 s5, s20  }
0x9d: {  	s8 =	simm.s32 $0x0;
	s21 =	sshll.u32 s6, $0x1;
	s6 =	sadd.s32 s22, s4  }
0x9e: {  	[timem:s8], [sflag:s23] =	dma.local [hbm:s6], s21  }
0x9f: {  	_ =	swait.ge [sflag:s23], s21  }
0xa0: {  	s5 =	ssub.s32 $0x0, s21;
	[sflag:s23] =	ssyncset.done $0x0  }
0xa1: {  	[sflag:s23] =	ssyncadd.s32 s5;
	_ =	sdelay $0x1  }
0xa2: {  	s24 =	simm.s32 $0x1B8B  }
0xa3: {  	_ =	swait.ge [sflag:s24], $0x1  }
0xa4: {  	[sflag:s24] =	ssyncset.done $0x0  }
0xa5: {  	s25 =	simm.s32 $0x1B8E;
	[sflag:s24] =	ssyncadd.s32 $0xFFFFFFFF  }
0xa6: {  	s26 =	simm.s32 $execute0_lowered;
	[smem:$0x3FD2] =	sst s25  }
0xa7: {  	s5 =	sshll.u32 s26, $0x1;
	_ =	strace $0x80000046;
	[dreg:$0x1] =	wrdreg $0xFFFFFFFF  }
0xa8: {  	s28 =	simm.s32 $_size_execute0_lowered;
	s4 =	sadd.s32 s4, s5;
	[dreg:$0x0] =	wrdreg $0x0  }
0xa9: {  	s5 =	sshll.u32 s28, $0x1;
	[dreg:$0x2] =	wrdreg s4  }
0xaa: {  	[dreg:$0x3] =	wrdreg s5  }
0xab: {  	[dreg:$0x4] =	wrdreg $0xC0  }
0xac: {  	_ =	task [dreg:s8], $0x5FFFF  }
0xad: {  	[dreg:$0x1] =	wrdreg $0xFFFFFFFF  }
0xae: {  	[dreg:$0x0] =	wrdreg $0x60  }
0xaf: {  	[dreg:$0x2] =	wrdreg s2  }
0xb0: {  	[dreg:$0x3] =	wrdreg s19  }
0xb1: {  	[dreg:$0x4] =	wrdreg $0x9  }
0xb2: {  	_ =	task.clear_ibuf [dreg:s8], $0x5FFFF;
	_ =	strace $0x90000046  }
0xb3: {  	s29 =	simm.s32 $0x9;
	_ =	strace $0x80000048  }
0xb4: {  	_ =	swait.ge [sflag:s29], $0x1  }
0xb5: {  	[sflag:s29] =	ssyncadd.s32 $0xFFFFFFFF  }
0xb6: {  	_ =	strace $0x90000048  }
0xb7: {  	_ =	sfence  }
0xb8: {  	s30 =	sld [smem:$0x0];
	_ =	sdelay $0x2  }
0xb9: {  	s31 =	sshll.u32 s1, $0xD;
	s1 =	sshrl.u32 s1, $0x2  }
0xba: {  	s3 =	sand.u32 $0x4000, s31;
	s1 =	sadd.s32 s1, s30  }
0xbb: {  	s0 =	sor.u32 s3, s0;
	s1 =	sshll.u32 s1, $0x11  }
0xbc: {  	s0 =	sor.u32 s1, s0  }
0xbd: {  	s0 =	sadd.s32 $0x8F2B, s0  }
0xbe: {  	[sflag:s0] =	ssyncadd.remote.s32 $0x1  }
0xbf: {  	_ =	sfence.sel $0xFFFF  }
0xc0: {  	[dreg:$0x0] =	wrdreg $0xFFFFFFFF;
	(pc) =	sbr.abs _section_cstart, $3  }
0xc1: {  	[dreg:$0x1] =	wrdreg $0xFFFFFFFF  }
0xc2: {  	_ =	task.clear_ibuf [dreg:s8], $0x2FFFF;
	_ =	strace $0x9FFFFFFF  }
0xc3: {  	(tm) =	ssettm $0x7FFFFFFF  }
tec
execute0_lowered:
.L_overlay_start_1:
0x0: {  	(tag) =	ssettag $0x1  }
0x1: {  	s1 =	srdreg.scid;
	s0 =	stileid.u32  }
0x2: {  	s26 =	sand.u32 $0x1, s1;
	s3 =	sshll.u32 s0, $0x1  }
0x3: {  	s3 =	sor.u32 s26, s3  }
0x4: {  	p0 =	sgt.u32 s3, $0x18  }
.Ltmp0:
0x5: {  	_ = 	snop;
	(pc) =	sbr.rel @p0 .LBB2_4-.Ltmp0, $4  }
0x6: {  	s23 =	rddreg [dreg:$0x0]  }
0x7: {  	s25 =	rddreg [dreg:$0x1];
	s2 =	simm.s32 $0x0  }
0x8: {  	[smem:$0x7FF] =	sst s2  }
0x9: {  	s1 =	rddreg [dreg:$0x2];
	_ =	strace $0x80000047  }
0xa: {  	s24 =	sshll.u32 s3, $0xE  }
0xb: {  	s11 =	sor.u32 $0x800, s24;
	s3 =	sadd.s32 s23, s24  }
0xc: {  	[tilespmem:s2], [sflag:$0x1] =	stream.linear.gather [hbm4b:s3+s2], $0x4000, $0x38;
	[tilespmem:$0x10000] =	vst v63  }
0xd: {  	s5 =	simm.s32 $0x4000;
	s6 =	simm.s32 $0x1;
	s4 =	sadd.s32 s23, s11  }
0xe: {  	[tilespmem:s5], [sflag:$0x2] =	stream.linear.gather [hbm4b:s4+s2], $0x4000, $0x38;
	[tilespmem:$0x10000] =	vst v63  }
0xf: {  	_ =	swait.ge [sflag:s6], $0x4000  }
0x10: {  	s8 =	simm.s32 $0x8000;
	[sflag:s6] =	ssyncset.done $0x0  }
0x11: {  	s7 =	sadd.s32 s25, s24;
	s15 =	sor.u32 $0x1000, s24;
	[sflag:s6] =	ssyncadd.s32 $0xFFFFC000  }
0x12: {  	[hbm4b:s7+s2] =	stream.linear.scatter [tilespmem:s8], [sflag:$0x3], $0x4000, $0x38;
	[tilespmem:$0x10000] =	vst v63  }
0x13: {  	s10 =	simm.s32 $0x2;
	s9 =	sadd.s32 s23, s15  }
0x14: {  	[tilespmem:s2], [sflag:$0x1] =	stream.linear.gather [hbm4b:s9+s2], $0x4000, $0x38;
	[tilespmem:$0x10000] =	vst v63  }
0x15: {  	_ =	swait.ge [sflag:s10], $0x4000  }
0x16: {  	s12 =	simm.s32 $0xC000;
	[sflag:s10] =	ssyncset.done $0x0  }
0x17: {  	s18 =	sor.u32 $0x1800, s24;
	s11 =	sadd.s32 s25, s11;
	[sflag:s10] =	ssyncadd.s32 $0xFFFFC000  }
0x18: {  	[hbm4b:s11+s2] =	stream.linear.scatter [tilespmem:s12], [sflag:$0x4], $0x4000, $0x38;
	[tilespmem:$0x10000] =	vst v63  }
0x19: {  	s13 =	sadd.s32 s23, s18  }
0x1a: {  	[tilespmem:s5], [sflag:$0x2] =	stream.linear.gather [hbm4b:s13+s2], $0x4000, $0x38;
	[tilespmem:$0x10000] =	vst v63  }
0x1b: {  	_ =	swait.ge [sflag:s6], $0x4000  }
0x1c: {  	[sflag:s6] =	ssyncset.done $0x0  }
0x1d: {  	s14 =	simm.s32 $0x3;
	[sflag:s6] =	ssyncadd.s32 $0xFFFFC000  }
0x1e: {  	_ =	swait.ge [sflag:s14], $0x4000  }
0x1f: {  	[sflag:s14] =	ssyncset.done $0x0  }
0x20: {  	s20 =	sor.u32 $0x2000, s24;
	s15 =	sadd.s32 s25, s15;
	[sflag:s14] =	ssyncadd.s32 $0xFFFFC000  }
0x21: {  	[hbm4b:s15+s2] =	stream.linear.scatter [tilespmem:s8], [sflag:$0x3], $0x4000, $0x38;
	[tilespmem:$0x10000] =	vst v63  }
0x22: {  	s16 =	sadd.s32 s23, s20  }
0x23: {  	[tilespmem:s2], [sflag:$0x1] =	stream.linear.gather [hbm4b:s16+s2], $0x4000, $0x38;
	[tilespmem:$0x10000] =	vst v63  }
0x24: {  	_ =	swait.ge [sflag:s10], $0x4000  }
0x25: {  	[sflag:s10] =	ssyncset.done $0x0  }
0x26: {  	s17 =	simm.s32 $0x4;
	[sflag:s10] =	ssyncadd.s32 $0xFFFFC000  }
0x27: {  	_ =	swait.ge [sflag:s17], $0x4000  }
0x28: {  	[sflag:s17] =	ssyncset.done $0x0  }
0x29: {  	s22 =	sor.u32 $0x2800, s24;
	s18 =	sadd.s32 s25, s18;
	[sflag:s17] =	ssyncadd.s32 $0xFFFFC000  }
0x2a: {  	[hbm4b:s18+s2] =	stream.linear.scatter [tilespmem:s12], [sflag:$0x4], $0x4000, $0x38;
	[tilespmem:$0x10000] =	vst v63  }
0x2b: {  	s19 =	sadd.s32 s23, s22  }
0x2c: {  	[tilespmem:s5], [sflag:$0x2] =	stream.linear.gather [hbm4b:s19+s2], $0x4000, $0x38;
	[tilespmem:$0x10000] =	vst v63  }
0x2d: {  	_ =	swait.ge [sflag:s6], $0x4000  }
0x2e: {  	[sflag:s6] =	ssyncset.done $0x0  }
0x2f: {  	[sflag:s6] =	ssyncadd.s32 $0xFFFFC000  }
0x30: {  	_ =	swait.ge [sflag:s14], $0x4000  }
0x31: {  	[sflag:s14] =	ssyncset.done $0x0  }
0x32: {  	s28 =	sor.u32 $0x3000, s24;
	s20 =	sadd.s32 s25, s20;
	[sflag:s14] =	ssyncadd.s32 $0xFFFFC000  }
0x33: {  	[hbm4b:s20+s2] =	stream.linear.scatter [tilespmem:s8], [sflag:$0x3], $0x4000, $0x38;
	[tilespmem:$0x10000] =	vst v63  }
0x34: {  	s21 =	sadd.s32 s23, s28  }
0x35: {  	[tilespmem:s2], [sflag:$0x1] =	stream.linear.gather [hbm4b:s21+s2], $0x4000, $0x38;
	[tilespmem:$0x10000] =	vst v63  }
0x36: {  	_ =	swait.ge [sflag:s10], $0x4000  }
0x37: {  	[sflag:s10] =	ssyncset.done $0x0  }
0x38: {  	[sflag:s10] =	ssyncadd.s32 $0xFFFFC000  }
0x39: {  	_ =	swait.ge [sflag:s17], $0x4000  }
0x3a: {  	[sflag:s17] =	ssyncset.done $0x0  }
0x3b: {  	s29 =	sor.u32 $0x3800, s24;
	s22 =	sadd.s32 s25, s22;
	[sflag:s17] =	ssyncadd.s32 $0xFFFFC000  }
0x3c: {  	[hbm4b:s22+s2] =	stream.linear.scatter [tilespmem:s12], [sflag:$0x4], $0x4000, $0x38;
	[tilespmem:$0x10000] =	vst v63  }
0x3d: {  	s23 =	sadd.s32 s23, s29  }
0x3e: {  	[tilespmem:s5], [sflag:$0x2] =	stream.linear.gather [hbm4b:s23+s2], $0x4000, $0x38;
	[tilespmem:$0x10000] =	vst v63  }
0x3f: {  	_ =	swait.ge [sflag:s6], $0x4000  }
0x40: {  	[sflag:s6] =	ssyncset.done $0x0  }
0x41: {  	[sflag:s6] =	ssyncadd.s32 $0xFFFFC000  }
0x42: {  	_ =	swait.ge [sflag:s14], $0x4000  }
0x43: {  	[sflag:s14] =	ssyncset.done $0x0  }
0x44: {  	s24 =	sadd.s32 s25, s28;
	[sflag:s14] =	ssyncadd.s32 $0xFFFFC000  }
0x45: {  	[hbm4b:s24+s2] =	stream.linear.scatter [tilespmem:s8], [sflag:$0x3], $0x4000, $0x38;
	[tilespmem:$0x10000] =	vst v63  }
0x46: {  	_ =	swait.ge [sflag:s10], $0x4000  }
0x47: {  	s26 =	ssub.s32 $0x2, s26;
	[sflag:s10] =	ssyncset.done $0x0  }
0x48: {  	s31 =	sshrl.u32 s26, $0x1;
	[sflag:s10] =	ssyncadd.s32 $0xFFFFC000  }
0x49: {  	s26 =	ssub.s32 s26, s31;
	_ =	swait.ge [sflag:s17], $0x4000  }
0x4a: {  	s26 =	smax.u32 s26, $0x1;
	[sflag:s17] =	ssyncset.done $0x0  }
0x4b: {  	s25 =	sadd.s32 s25, s29;
	p0 =	sne.s32 s26, $0x1;
	[sflag:s17] =	ssyncadd.s32 $0xFFFFC000  }
0x4c: {  	[hbm4b:s25+s2] =	stream.linear.scatter [tilespmem:s12], [sflag:$0x4], $0x4000, $0x38;
	[tilespmem:$0x10000] =	vst v63  }
.Ltmp1:
0x4d: {  	_ =	swait.ge [sflag:s14], $0x4000;
	(pc) =	sbr.rel @!p0 .LBB2_3-.Ltmp1, $4  }
0x4e: {  	[sflag:s14] =	ssyncset.done $0x0  }
0x4f: {  	[sflag:s14] =	ssyncadd.s32 $0xFFFFC000  }
0x50: {  	_ =	swait.ge [sflag:s17], $0x4000  }
0x51: {  	s26 =	sadd.s32 $0xFFFFFFFF, s26;
	[sflag:s17] =	ssyncset.done $0x0  }
.LBB2_2:
0x52: {  	p0 =	sne.s32 s26, $0x1;
	s26 =	sadd.s32 $0xFFFFFFFF, s26;
	[sflag:s17] =	ssyncadd.s32 $0xFFFFC000  }
0x53: {  	[tilespmem:s2], [sflag:$0x1] =	stream.linear.gather [hbm4b:s3+s2], $0x4000, $0x38;
	[tilespmem:$0x10000] =	vst v63  }
0x54: {  	_ = 	snop  }
0x55: {  	[tilespmem:s5], [sflag:$0x2] =	stream.linear.gather [hbm4b:s4+s2], $0x4000, $0x38;
	[tilespmem:$0x10000] =	vst v63  }
0x56: {  	_ =	swait.ge [sflag:s6], $0x4000  }
0x57: {  	[sflag:s6] =	ssyncset.done $0x0  }
0x58: {  	[sflag:s6] =	ssyncadd.s32 $0xFFFFC000  }
0x59: {  	[hbm4b:s7+s2] =	stream.linear.scatter [tilespmem:s8], [sflag:$0x3], $0x4000, $0x38;
	[tilespmem:$0x10000] =	vst v63  }
0x5a: {  	_ = 	snop  }
0x5b: {  	[tilespmem:s2], [sflag:$0x1] =	stream.linear.gather [hbm4b:s9+s2], $0x4000, $0x38;
	[tilespmem:$0x10000] =	vst v63  }
0x5c: {  	_ =	swait.ge [sflag:s10], $0x4000  }
0x5d: {  	[sflag:s10] =	ssyncset.done $0x0  }
0x5e: {  	[sflag:s10] =	ssyncadd.s32 $0xFFFFC000  }
0x5f: {  	[hbm4b:s11+s2] =	stream.linear.scatter [tilespmem:s12], [sflag:$0x4], $0x4000, $0x38;
	[tilespmem:$0x10000] =	vst v63  }
0x60: {  	_ = 	snop  }
0x61: {  	[tilespmem:s5], [sflag:$0x2] =	stream.linear.gather [hbm4b:s13+s2], $0x4000, $0x38;
	[tilespmem:$0x10000] =	vst v63  }
0x62: {  	_ =	swait.ge [sflag:s6], $0x4000  }
0x63: {  	[sflag:s6] =	ssyncset.done $0x0  }
0x64: {  	[sflag:s6] =	ssyncadd.s32 $0xFFFFC000  }
0x65: {  	_ =	swait.ge [sflag:s14], $0x4000  }
0x66: {  	[sflag:s14] =	ssyncset.done $0x0  }
0x67: {  	[sflag:s14] =	ssyncadd.s32 $0xFFFFC000  }
0x68: {  	[hbm4b:s15+s2] =	stream.linear.scatter [tilespmem:s8], [sflag:$0x3], $0x4000, $0x38;
	[tilespmem:$0x10000] =	vst v63  }
0x69: {  	_ = 	snop  }
0x6a: {  	[tilespmem:s2], [sflag:$0x1] =	stream.linear.gather [hbm4b:s16+s2], $0x4000, $0x38;
	[tilespmem:$0x10000] =	vst v63  }
0x6b: {  	_ =	swait.ge [sflag:s10], $0x4000  }
0x6c: {  	[sflag:s10] =	ssyncset.done $0x0  }
0x6d: {  	[sflag:s10] =	ssyncadd.s32 $0xFFFFC000  }
0x6e: {  	_ =	swait.ge [sflag:s17], $0x4000  }
0x6f: {  	[sflag:s17] =	ssyncset.done $0x0  }
0x70: {  	[sflag:s17] =	ssyncadd.s32 $0xFFFFC000  }
0x71: {  	[hbm4b:s18+s2] =	stream.linear.scatter [tilespmem:s12], [sflag:$0x4], $0x4000, $0x38;
	[tilespmem:$0x10000] =	vst v63  }
0x72: {  	_ = 	snop  }
0x73: {  	[tilespmem:s5], [sflag:$0x2] =	stream.linear.gather [hbm4b:s19+s2], $0x4000, $0x38;
	[tilespmem:$0x10000] =	vst v63  }
0x74: {  	_ =	swait.ge [sflag:s6], $0x4000  }
0x75: {  	[sflag:s6] =	ssyncset.done $0x0  }
0x76: {  	[sflag:s6] =	ssyncadd.s32 $0xFFFFC000  }
0x77: {  	_ =	swait.ge [sflag:s14], $0x4000  }
0x78: {  	[sflag:s14] =	ssyncset.done $0x0  }
0x79: {  	[sflag:s14] =	ssyncadd.s32 $0xFFFFC000  }
0x7a: {  	[hbm4b:s20+s2] =	stream.linear.scatter [tilespmem:s8], [sflag:$0x3], $0x4000, $0x38;
	[tilespmem:$0x10000] =	vst v63  }
0x7b: {  	_ = 	snop  }
0x7c: {  	[tilespmem:s2], [sflag:$0x1] =	stream.linear.gather [hbm4b:s21+s2], $0x4000, $0x38;
	[tilespmem:$0x10000] =	vst v63  }
0x7d: {  	_ =	swait.ge [sflag:s10], $0x4000  }
0x7e: {  	[sflag:s10] =	ssyncset.done $0x0  }
0x7f: {  	[sflag:s10] =	ssyncadd.s32 $0xFFFFC000  }
0x80: {  	_ =	swait.ge [sflag:s17], $0x4000  }
0x81: {  	[sflag:s17] =	ssyncset.done $0x0  }
0x82: {  	[sflag:s17] =	ssyncadd.s32 $0xFFFFC000  }
0x83: {  	[hbm4b:s22+s2] =	stream.linear.scatter [tilespmem:s12], [sflag:$0x4], $0x4000, $0x38;
	[tilespmem:$0x10000] =	vst v63  }
0x84: {  	_ = 	snop  }
0x85: {  	[tilespmem:s5], [sflag:$0x2] =	stream.linear.gather [hbm4b:s23+s2], $0x4000, $0x38;
	[tilespmem:$0x10000] =	vst v63  }
0x86: {  	_ =	swait.ge [sflag:s6], $0x4000  }
0x87: {  	[sflag:s6] =	ssyncset.done $0x0  }
0x88: {  	[sflag:s6] =	ssyncadd.s32 $0xFFFFC000  }
0x89: {  	_ =	swait.ge [sflag:s14], $0x4000  }
0x8a: {  	[sflag:s14] =	ssyncset.done $0x0  }
0x8b: {  	[sflag:s14] =	ssyncadd.s32 $0xFFFFC000  }
0x8c: {  	[hbm4b:s24+s2] =	stream.linear.scatter [tilespmem:s8], [sflag:$0x3], $0x4000, $0x38;
	[tilespmem:$0x10000] =	vst v63  }
0x8d: {  	_ =	swait.ge [sflag:s10], $0x4000  }
0x8e: {  	[sflag:s10] =	ssyncset.done $0x0  }
0x8f: {  	[sflag:s10] =	ssyncadd.s32 $0xFFFFC000  }
0x90: {  	_ =	swait.ge [sflag:s17], $0x4000  }
0x91: {  	[sflag:s17] =	ssyncset.done $0x0  }
0x92: {  	[sflag:s17] =	ssyncadd.s32 $0xFFFFC000  }
0x93: {  	[hbm4b:s25+s2] =	stream.linear.scatter [tilespmem:s12], [sflag:$0x4], $0x4000, $0x38;
	[tilespmem:$0x10000] =	vst v63  }
.Ltmp2:
0x94: {  	_ =	swait.ge [sflag:s14], $0x4000;
	(pc) =	sbr.rel @p0 .LBB2_2-.Ltmp2, $4  }
0x95: {  	[sflag:s14] =	ssyncset.done $0x0  }
0x96: {  	[sflag:s14] =	ssyncadd.s32 $0xFFFFC000  }
0x97: {  	_ =	swait.ge [sflag:s17], $0x4000  }
0x98: {  	[sflag:s17] =	ssyncset.done $0x0  }
.LBB2_3:
0x99: {  	[sflag:s17] =	ssyncadd.s32 $0xFFFFC000  }
.LBB2_4:
0x9a: {  	_ =	sfence.sel $0x180000  }
0x9b: {  	[bflag:$0x0] =	sbarrier.arrive $0xFFFF  }
0x9c: {  	p0 =	sne.s32 s0, $0x0;
	_ =	strace $0x90000047  }
0x9d: {  	s0 =	sadd.s32 @!p0 $0x100000, s1;
	[bflag:$0x2] =	sbarrier.arrive $0xFFFF  }
0x9e: {  	[sflag:s0] =	ssyncadd.tile.s32 @!p0 $0x1;
	_ =	shalt  }
.Lfunc_end2:
_tile_overlayer_lowered:
.L_overlay_start_2:
0x9f: {  	(tag) =	ssettag $0x2  }
0xa0: {  	s0 =	rddreg [dreg:$0x0];
	s2 =	stileid.u32  }
0xa1: {  	s1 =	rddreg [dreg:$0x1];
	p0 =	sne.s32 s2, $0x0  }
0xa2: {  	s3 =	rddreg [dreg:$0x2];
	[bflag:$0x3] =	sbarrier.arrive $0xFFFF;
	s2 =	simm.s32 @!p0 $0x1C05  }
0xa3: {  	[timem:s3], [sflag:s2] =	dma.local @!p0 [hbm:s0], s1  }
0xa4: {  	s0 =	simm.s32 @!p0 $0x5  }
0xa5: {  	_ =	swait.ge @!p0 [sflag:s0], s1  }
0xa6: {  	s1 =	ssub.s32 @!p0 $0x0, s1;
	[sflag:s0] =	ssyncset.done @!p0 $0x0  }
0xa7: {  	[sflag:s0] =	ssyncadd.s32 @!p0 s1  }
0xa8: {  	[bflag:$0x3] =	sbarrier.arrive $0xFFFF  }
0xa9: {  	_ =	shalt  }

</sc_bundles>
